<compile_context>
chip_gen: v7x
topology: tpu7x:2x2x1
jax: 0.10.2.dev20260603
libtpu: 0.0.44.dev20260713+nightly
codegen_flags: <defaults>
</compile_context>

<pallas_src>
import numpy as np
import jax
import jax.numpy as jnp
from jax.experimental import pallas as pl
from jax.experimental.pallas import tpu as pltpu

NUM_CLASSES = 64
ROWS = 262144
HALF_ROWS = ROWS // 2
B2 = 512

_KS0 = np.uint32(0)
_KS1 = np.uint32(1234)
_KS2 = np.uint32(_KS0 ^ _KS1 ^ np.uint32(0x1BD11BDA))
_TINY = np.float32(np.finfo(np.float32).tiny)


def _threefry_bits_from_x1(x1):
    ks = (_KS0, _KS1, _KS2)
    rotations = ((13, 15, 26, 6), (17, 29, 16, 24))
    x0 = None
    for i in range(5):
        for r in rotations[i % 2]:
            x0 = x1 if x0 is None else x0 + x1
            x1 = (x1 << np.uint32(r)) | (x1 >> np.uint32(32 - r))
            x1 = x1 ^ x0
        x0 = x0 + ks[(i + 1) % 3]
        x1 = x1 + ks[(i + 2) % 3] + np.uint32(i + 1)
    return x0 ^ x1


def _block_kernel(logits_ref, probs_ref, onehot_ref):
    i = pl.program_id(0)

    shape = (B2, 128)
    lane = jax.lax.broadcasted_iota(jnp.uint32, (1, 128), 1)
    lane_off = (lane & np.uint32(63)) + (
        (lane >> np.uint32(6)) * np.uint32(HALF_ROWS * NUM_CLASSES)
        + np.uint32(1234)
    )
    row64 = jax.lax.broadcasted_iota(jnp.uint32, shape, 0) << np.uint32(6)
    x1 = (i * np.uint32(B2 * NUM_CLASSES)).astype(jnp.uint32) + (row64 + lane_off)
    bits = _threefry_bits_from_x1(x1)
    fb = (bits >> np.uint32(9)) | np.uint32(0x3F800000)
    f = pltpu.bitcast(fb, jnp.float32) - np.float32(1.0)
    u = f * (np.float32(1.0) - _TINY) + _TINY

    for h in (0, 1):
        l = logits_ref[h]
        uh = u[:, :64] if h == 0 else u[:, 64:]
        score = l - jnp.log(-jnp.log(uh))
        m = jnp.max(score, axis=1, keepdims=True)
        onehot_ref[h] = (score == m).astype(jnp.int32)
        ex = jnp.exp(l)
        s = jnp.sum(ex, axis=1, keepdims=True)
        probs_ref[h] = ex * (np.float32(1.0) / s)


def kernel(logits):
    grid = (HALF_ROWS // B2,)
    l3 = logits.reshape(2, HALF_ROWS, NUM_CLASSES)
    spec = pl.BlockSpec((2, B2, NUM_CLASSES), lambda i: (0, i, 0))
    probs, onehots = pl.pallas_call(
        _block_kernel,
        grid=grid,
        in_specs=[spec],
        out_specs=[spec, spec],
        out_shape=[
            jax.ShapeDtypeStruct((2, HALF_ROWS, NUM_CLASSES), jnp.float32),
            jax.ShapeDtypeStruct((2, HALF_ROWS, NUM_CLASSES), jnp.int32),
        ],
    )(l3)
    return (probs.reshape(ROWS, NUM_CLASSES), onehots.reshape(ROWS, NUM_CLASSES))

# --- scband reference (transcript-rebuilt; emitter-appended) ---
"""Pipeline reference for scband-discrete-space-denoiser-7327214207378 (READ-ONLY COPY).

The authoritative reference and input builder live on the scoring server;
editing this copy changes nothing except your own understanding.
"""

import jax, jax.numpy as jnp
import numpy as np

NUM_CLASSES = 64

def setup_inputs(seed: int = 0) -> dict:
    key = jax.random.key(seed)
    logits = jax.random.normal(key, (262144, NUM_CLASSES), dtype=jnp.float32)
    return {"logits": logits}

def reference(logits):
    # get_probabilities_from_logits: exp(log_softmax(logits))
    log_probs = jax.nn.log_softmax(logits, axis=-1)
    probabilities = jnp.exp(log_probs)
    # sample_onehot_vectors: Categorical(probs).sample() -> one_hot(num_classes=len(element_pool))
    sample_key = jax.random.key(1234)
    samples = jax.random.categorical(sample_key, jnp.log(probabilities + 1e-30), axis=-1)
    onehots = jax.nn.one_hot(samples, logits.shape[-1], dtype=jnp.int32)
    return (probabilities, onehots)

if __name__ == "__main__":
    import jax
    _d = setup_inputs()
    print(jax.jit(kernel)(*tuple(_d.values())))

</pallas_src>

<mosaic_0001>
module attributes {stable_mosaic.version = 14 : i64} {
  func.func @_block_kernel(%arg0: i32, %arg1: memref<2x512x64xf32, #tpu.memory_space<vmem>>, %arg2: memref<2x512x64xf32, #tpu.memory_space<vmem>>, %arg3: memref<2x512x64xi32, #tpu.memory_space<vmem>>) attributes {dimension_semantics = [#tpu.dimension_semantics<arbitrary>], iteration_bounds = array<i64: 256>, scalar_prefetch = 0 : i64, scratch_operands = 0 : i64, tpu.core_type = #tpu.core_type<tc>, window_params = [{transform_indices = @transform_0, window_bounds = array<i64: 2, 512, 64>}, {transform_indices = @transform_1, window_bounds = array<i64: 2, 512, 64>}, {transform_indices = @transform_2, window_bounds = array<i64: 2, 512, 64>}]} {
    %iota3A = tpu.iota {dimensions = array<i32: 1>} : vector<1x128xi32>
    %and3A = arith.constant 63 : i32
    %and3A_0 = vector.broadcast %and3A : i32 to vector<1x128xi32>
    %and3A_1 = arith.andi %iota3A, %and3A_0 : vector<1x128xi32>
    %shift_right_logical3A = arith.constant 6 : i32
    %shift_right_logical3A_2 = vector.broadcast %shift_right_logical3A : i32 to vector<1x128xi32>
    %shift_right_logical3A_3 = arith.shrui %iota3A, %shift_right_logical3A_2 : vector<1x128xi32>
    %mul3A = arith.constant 8388608 : i32
    %mul3A_4 = vector.broadcast %mul3A : i32 to vector<1x128xi32>
    %mul3A_5 = arith.muli %shift_right_logical3A_3, %mul3A_4 : vector<1x128xi32>
    %add3A = arith.constant 1234 : i32
    %add3A_6 = vector.broadcast %add3A : i32 to vector<1x128xi32>
    %add3A_7 = arith.addi %mul3A_5, %add3A_6 : vector<1x128xi32>
    %add3A_8 = arith.addi %and3A_1, %add3A_7 : vector<1x128xi32>
    %iota3A_9 = tpu.iota {dimensions = array<i32: 0>} : vector<512x128xi32>
    %shift_left3A = arith.constant 6 : i32
    %shift_left3A_10 = vector.broadcast %shift_left3A : i32 to vector<512x128xi32>
    %shift_left3A_11 = arith.shli %iota3A_9, %shift_left3A_10 : vector<512x128xi32>
    %mul3A_12 = arith.constant 32768 : i32
    %mul3A_13 = arith.muli %arg0, %mul3A_12 : i32
    %add3A_14 = vector.broadcast %add3A_8 : vector<1x128xi32> to vector<512x128xi32>
    %add3A_15 = arith.addi %shift_left3A_11, %add3A_14 : vector<512x128xi32>
    %add3A_16 = vector.broadcast %mul3A_13 : i32 to vector<512x128xi32>
    %add3A_17 = arith.addi %add3A_16, %add3A_15 : vector<512x128xi32>
    %shift_left3A_18 = arith.constant 13 : i32
    %shift_left3A_19 = vector.broadcast %shift_left3A_18 : i32 to vector<512x128xi32>
    %shift_left3A_20 = arith.shli %add3A_17, %shift_left3A_19 : vector<512x128xi32>
    %shift_right_logical3A_21 = arith.constant 19 : i32
    %shift_right_logical3A_22 = vector.broadcast %shift_right_logical3A_21 : i32 to vector<512x128xi32>
    %shift_right_logical3A_23 = arith.shrui %add3A_17, %shift_right_logical3A_22 : vector<512x128xi32>
    %or3A = arith.ori %shift_left3A_20, %shift_right_logical3A_23 : vector<512x128xi32>
    %xor3A = arith.xori %or3A, %add3A_17 : vector<512x128xi32>
    %add3A_24 = arith.addi %add3A_17, %xor3A : vector<512x128xi32>
    %shift_left3A_25 = arith.constant 15 : i32
    %shift_left3A_26 = vector.broadcast %shift_left3A_25 : i32 to vector<512x128xi32>
    %shift_left3A_27 = arith.shli %xor3A, %shift_left3A_26 : vector<512x128xi32>
    %shift_right_logical3A_28 = arith.constant 17 : i32
    %shift_right_logical3A_29 = vector.broadcast %shift_right_logical3A_28 : i32 to vector<512x128xi32>
    %shift_right_logical3A_30 = arith.shrui %xor3A, %shift_right_logical3A_29 : vector<512x128xi32>
    %or3A_31 = arith.ori %shift_left3A_27, %shift_right_logical3A_30 : vector<512x128xi32>
    %xor3A_32 = arith.xori %or3A_31, %add3A_24 : vector<512x128xi32>
    %add3A_33 = arith.addi %add3A_24, %xor3A_32 : vector<512x128xi32>
    %shift_left3A_34 = arith.constant 26 : i32
    %shift_left3A_35 = vector.broadcast %shift_left3A_34 : i32 to vector<512x128xi32>
    %shift_left3A_36 = arith.shli %xor3A_32, %shift_left3A_35 : vector<512x128xi32>
    %shift_right_logical3A_37 = arith.constant 6 : i32
    %shift_right_logical3A_38 = vector.broadcast %shift_right_logical3A_37 : i32 to vector<512x128xi32>
    %shift_right_logical3A_39 = arith.shrui %xor3A_32, %shift_right_logical3A_38 : vector<512x128xi32>
    %or3A_40 = arith.ori %shift_left3A_36, %shift_right_logical3A_39 : vector<512x128xi32>
    %xor3A_41 = arith.xori %or3A_40, %add3A_33 : vector<512x128xi32>
    %add3A_42 = arith.addi %add3A_33, %xor3A_41 : vector<512x128xi32>
    %shift_left3A_43 = arith.constant 6 : i32
    %shift_left3A_44 = vector.broadcast %shift_left3A_43 : i32 to vector<512x128xi32>
    %shift_left3A_45 = arith.shli %xor3A_41, %shift_left3A_44 : vector<512x128xi32>
    %shift_right_logical3A_46 = arith.constant 26 : i32
    %shift_right_logical3A_47 = vector.broadcast %shift_right_logical3A_46 : i32 to vector<512x128xi32>
    %shift_right_logical3A_48 = arith.shrui %xor3A_41, %shift_right_logical3A_47 : vector<512x128xi32>
    %or3A_49 = arith.ori %shift_left3A_45, %shift_right_logical3A_48 : vector<512x128xi32>
    %xor3A_50 = arith.xori %or3A_49, %add3A_42 : vector<512x128xi32>
    %add3A_51 = arith.constant 1234 : i32
    %add3A_52 = vector.broadcast %add3A_51 : i32 to vector<512x128xi32>
    %add3A_53 = arith.addi %add3A_42, %add3A_52 : vector<512x128xi32>
    %add3A_54 = arith.constant 466689800 : i32
    %add3A_55 = vector.broadcast %add3A_54 : i32 to vector<512x128xi32>
    %add3A_56 = arith.addi %xor3A_50, %add3A_55 : vector<512x128xi32>
    %add3A_57 = arith.constant 1 : i32
    %add3A_58 = vector.broadcast %add3A_57 : i32 to vector<512x128xi32>
    %add3A_59 = arith.addi %add3A_56, %add3A_58 : vector<512x128xi32>
    %add3A_60 = arith.addi %add3A_53, %add3A_59 : vector<512x128xi32>
    %shift_left3A_61 = arith.constant 17 : i32
    %shift_left3A_62 = vector.broadcast %shift_left3A_61 : i32 to vector<512x128xi32>
    %shift_left3A_63 = arith.shli %add3A_59, %shift_left3A_62 : vector<512x128xi32>
    %shift_right_logical3A_64 = arith.constant 15 : i32
    %shift_right_logical3A_65 = vector.broadcast %shift_right_logical3A_64 : i32 to vector<512x128xi32>
    %shift_right_logical3A_66 = arith.shrui %add3A_59, %shift_right_logical3A_65 : vector<512x128xi32>
    %or3A_67 = arith.ori %shift_left3A_63, %shift_right_logical3A_66 : vector<512x128xi32>
    %xor3A_68 = arith.xori %or3A_67, %add3A_60 : vector<512x128xi32>
    %add3A_69 = arith.addi %add3A_60, %xor3A_68 : vector<512x128xi32>
    %shift_left3A_70 = arith.constant 29 : i32
    %shift_left3A_71 = vector.broadcast %shift_left3A_70 : i32 to vector<512x128xi32>
    %shift_left3A_72 = arith.shli %xor3A_68, %shift_left3A_71 : vector<512x128xi32>
    %shift_right_logical3A_73 = arith.constant 3 : i32
    %shift_right_logical3A_74 = vector.broadcast %shift_right_logical3A_73 : i32 to vector<512x128xi32>
    %shift_right_logical3A_75 = arith.shrui %xor3A_68, %shift_right_logical3A_74 : vector<512x128xi32>
    %or3A_76 = arith.ori %shift_left3A_72, %shift_right_logical3A_75 : vector<512x128xi32>
    %xor3A_77 = arith.xori %or3A_76, %add3A_69 : vector<512x128xi32>
    %add3A_78 = arith.addi %add3A_69, %xor3A_77 : vector<512x128xi32>
    %shift_left3A_79 = arith.constant 16 : i32
    %shift_left3A_80 = vector.broadcast %shift_left3A_79 : i32 to vector<512x128xi32>
    %shift_left3A_81 = arith.shli %xor3A_77, %shift_left3A_80 : vector<512x128xi32>
    %shift_right_logical3A_82 = arith.constant 16 : i32
    %shift_right_logical3A_83 = vector.broadcast %shift_right_logical3A_82 : i32 to vector<512x128xi32>
    %shift_right_logical3A_84 = arith.shrui %xor3A_77, %shift_right_logical3A_83 : vector<512x128xi32>
    %or3A_85 = arith.ori %shift_left3A_81, %shift_right_logical3A_84 : vector<512x128xi32>
    %xor3A_86 = arith.xori %or3A_85, %add3A_78 : vector<512x128xi32>
    %add3A_87 = arith.addi %add3A_78, %xor3A_86 : vector<512x128xi32>
    %shift_left3A_88 = arith.constant 24 : i32
    %shift_left3A_89 = vector.broadcast %shift_left3A_88 : i32 to vector<512x128xi32>
    %shift_left3A_90 = arith.shli %xor3A_86, %shift_left3A_89 : vector<512x128xi32>
    %shift_right_logical3A_91 = arith.constant 8 : i32
    %shift_right_logical3A_92 = vector.broadcast %shift_right_logical3A_91 : i32 to vector<512x128xi32>
    %shift_right_logical3A_93 = arith.shrui %xor3A_86, %shift_right_logical3A_92 : vector<512x128xi32>
    %or3A_94 = arith.ori %shift_left3A_90, %shift_right_logical3A_93 : vector<512x128xi32>
    %xor3A_95 = arith.xori %or3A_94, %add3A_87 : vector<512x128xi32>
    %add3A_96 = arith.constant 466689800 : i32
    %add3A_97 = vector.broadcast %add3A_96 : i32 to vector<512x128xi32>
    %add3A_98 = arith.addi %add3A_87, %add3A_97 : vector<512x128xi32>
    %add3A_99 = arith.constant 0 : i32
    %add3A_100 = vector.broadcast %add3A_99 : i32 to vector<512x128xi32>
    %add3A_101 = arith.addi %xor3A_95, %add3A_100 : vector<512x128xi32>
    %add3A_102 = arith.constant 2 : i32
    %add3A_103 = vector.broadcast %add3A_102 : i32 to vector<512x128xi32>
    %add3A_104 = arith.addi %add3A_101, %add3A_103 : vector<512x128xi32>
    %add3A_105 = arith.addi %add3A_98, %add3A_104 : vector<512x128xi32>
    %shift_left3A_106 = arith.constant 13 : i32
    %shift_left3A_107 = vector.broadcast %shift_left3A_106 : i32 to vector<512x128xi32>
    %shift_left3A_108 = arith.shli %add3A_104, %shift_left3A_107 : vector<512x128xi32>
    %shift_right_logical3A_109 = arith.constant 19 : i32
    %shift_right_logical3A_110 = vector.broadcast %shift_right_logical3A_109 : i32 to vector<512x128xi32>
    %shift_right_logical3A_111 = arith.shrui %add3A_104, %shift_right_logical3A_110 : vector<512x128xi32>
    %or3A_112 = arith.ori %shift_left3A_108, %shift_right_logical3A_111 : vector<512x128xi32>
    %xor3A_113 = arith.xori %or3A_112, %add3A_105 : vector<512x128xi32>
    %add3A_114 = arith.addi %add3A_105, %xor3A_113 : vector<512x128xi32>
    %shift_left3A_115 = arith.constant 15 : i32
    %shift_left3A_116 = vector.broadcast %shift_left3A_115 : i32 to vector<512x128xi32>
    %shift_left3A_117 = arith.shli %xor3A_113, %shift_left3A_116 : vector<512x128xi32>
    %shift_right_logical3A_118 = arith.constant 17 : i32
    %shift_right_logical3A_119 = vector.broadcast %shift_right_logical3A_118 : i32 to vector<512x128xi32>
    %shift_right_logical3A_120 = arith.shrui %xor3A_113, %shift_right_logical3A_119 : vector<512x128xi32>
    %or3A_121 = arith.ori %shift_left3A_117, %shift_right_logical3A_120 : vector<512x128xi32>
    %xor3A_122 = arith.xori %or3A_121, %add3A_114 : vector<512x128xi32>
    %add3A_123 = arith.addi %add3A_114, %xor3A_122 : vector<512x128xi32>
    %shift_left3A_124 = arith.constant 26 : i32
    %shift_left3A_125 = vector.broadcast %shift_left3A_124 : i32 to vector<512x128xi32>
    %shift_left3A_126 = arith.shli %xor3A_122, %shift_left3A_125 : vector<512x128xi32>
    %shift_right_logical3A_127 = arith.constant 6 : i32
    %shift_right_logical3A_128 = vector.broadcast %shift_right_logical3A_127 : i32 to vector<512x128xi32>
    %shift_right_logical3A_129 = arith.shrui %xor3A_122, %shift_right_logical3A_128 : vector<512x128xi32>
    %or3A_130 = arith.ori %shift_left3A_126, %shift_right_logical3A_129 : vector<512x128xi32>
    %xor3A_131 = arith.xori %or3A_130, %add3A_123 : vector<512x128xi32>
    %add3A_132 = arith.addi %add3A_123, %xor3A_131 : vector<512x128xi32>
    %shift_left3A_133 = arith.constant 6 : i32
    %shift_left3A_134 = vector.broadcast %shift_left3A_133 : i32 to vector<512x128xi32>
    %shift_left3A_135 = arith.shli %xor3A_131, %shift_left3A_134 : vector<512x128xi32>
    %shift_right_logical3A_136 = arith.constant 26 : i32
    %shift_right_logical3A_137 = vector.broadcast %shift_right_logical3A_136 : i32 to vector<512x128xi32>
    %shift_right_logical3A_138 = arith.shrui %xor3A_131, %shift_right_logical3A_137 : vector<512x128xi32>
    %or3A_139 = arith.ori %shift_left3A_135, %shift_right_logical3A_138 : vector<512x128xi32>
    %xor3A_140 = arith.xori %or3A_139, %add3A_132 : vector<512x128xi32>
    %add3A_141 = arith.constant 0 : i32
    %add3A_142 = vector.broadcast %add3A_141 : i32 to vector<512x128xi32>
    %add3A_143 = arith.addi %add3A_132, %add3A_142 : vector<512x128xi32>
    %add3A_144 = arith.constant 1234 : i32
    %add3A_145 = vector.broadcast %add3A_144 : i32 to vector<512x128xi32>
    %add3A_146 = arith.addi %xor3A_140, %add3A_145 : vector<512x128xi32>
    %add3A_147 = arith.constant 3 : i32
    %add3A_148 = vector.broadcast %add3A_147 : i32 to vector<512x128xi32>
    %add3A_149 = arith.addi %add3A_146, %add3A_148 : vector<512x128xi32>
    %add3A_150 = arith.addi %add3A_143, %add3A_149 : vector<512x128xi32>
    %shift_left3A_151 = arith.constant 17 : i32
    %shift_left3A_152 = vector.broadcast %shift_left3A_151 : i32 to vector<512x128xi32>
    %shift_left3A_153 = arith.shli %add3A_149, %shift_left3A_152 : vector<512x128xi32>
    %shift_right_logical3A_154 = arith.constant 15 : i32
    %shift_right_logical3A_155 = vector.broadcast %shift_right_logical3A_154 : i32 to vector<512x128xi32>
    %shift_right_logical3A_156 = arith.shrui %add3A_149, %shift_right_logical3A_155 : vector<512x128xi32>
    %or3A_157 = arith.ori %shift_left3A_153, %shift_right_logical3A_156 : vector<512x128xi32>
    %xor3A_158 = arith.xori %or3A_157, %add3A_150 : vector<512x128xi32>
    %add3A_159 = arith.addi %add3A_150, %xor3A_158 : vector<512x128xi32>
    %shift_left3A_160 = arith.constant 29 : i32
    %shift_left3A_161 = vector.broadcast %shift_left3A_160 : i32 to vector<512x128xi32>
    %shift_left3A_162 = arith.shli %xor3A_158, %shift_left3A_161 : vector<512x128xi32>
    %shift_right_logical3A_163 = arith.constant 3 : i32
    %shift_right_logical3A_164 = vector.broadcast %shift_right_logical3A_163 : i32 to vector<512x128xi32>
    %shift_right_logical3A_165 = arith.shrui %xor3A_158, %shift_right_logical3A_164 : vector<512x128xi32>
    %or3A_166 = arith.ori %shift_left3A_162, %shift_right_logical3A_165 : vector<512x128xi32>
    %xor3A_167 = arith.xori %or3A_166, %add3A_159 : vector<512x128xi32>
    %add3A_168 = arith.addi %add3A_159, %xor3A_167 : vector<512x128xi32>
    %shift_left3A_169 = arith.constant 16 : i32
    %shift_left3A_170 = vector.broadcast %shift_left3A_169 : i32 to vector<512x128xi32>
    %shift_left3A_171 = arith.shli %xor3A_167, %shift_left3A_170 : vector<512x128xi32>
    %shift_right_logical3A_172 = arith.constant 16 : i32
    %shift_right_logical3A_173 = vector.broadcast %shift_right_logical3A_172 : i32 to vector<512x128xi32>
    %shift_right_logical3A_174 = arith.shrui %xor3A_167, %shift_right_logical3A_173 : vector<512x128xi32>
    %or3A_175 = arith.ori %shift_left3A_171, %shift_right_logical3A_174 : vector<512x128xi32>
    %xor3A_176 = arith.xori %or3A_175, %add3A_168 : vector<512x128xi32>
    %add3A_177 = arith.addi %add3A_168, %xor3A_176 : vector<512x128xi32>
    %shift_left3A_178 = arith.constant 24 : i32
    %shift_left3A_179 = vector.broadcast %shift_left3A_178 : i32 to vector<512x128xi32>
    %shift_left3A_180 = arith.shli %xor3A_176, %shift_left3A_179 : vector<512x128xi32>
    %shift_right_logical3A_181 = arith.constant 8 : i32
    %shift_right_logical3A_182 = vector.broadcast %shift_right_logical3A_181 : i32 to vector<512x128xi32>
    %shift_right_logical3A_183 = arith.shrui %xor3A_176, %shift_right_logical3A_182 : vector<512x128xi32>
    %or3A_184 = arith.ori %shift_left3A_180, %shift_right_logical3A_183 : vector<512x128xi32>
    %xor3A_185 = arith.xori %or3A_184, %add3A_177 : vector<512x128xi32>
    %add3A_186 = arith.constant 1234 : i32
    %add3A_187 = vector.broadcast %add3A_186 : i32 to vector<512x128xi32>
    %add3A_188 = arith.addi %add3A_177, %add3A_187 : vector<512x128xi32>
    %add3A_189 = arith.constant 466689800 : i32
    %add3A_190 = vector.broadcast %add3A_189 : i32 to vector<512x128xi32>
    %add3A_191 = arith.addi %xor3A_185, %add3A_190 : vector<512x128xi32>
    %add3A_192 = arith.constant 4 : i32
    %add3A_193 = vector.broadcast %add3A_192 : i32 to vector<512x128xi32>
    %add3A_194 = arith.addi %add3A_191, %add3A_193 : vector<512x128xi32>
    %add3A_195 = arith.addi %add3A_188, %add3A_194 : vector<512x128xi32>
    %shift_left3A_196 = arith.constant 13 : i32
    %shift_left3A_197 = vector.broadcast %shift_left3A_196 : i32 to vector<512x128xi32>
    %shift_left3A_198 = arith.shli %add3A_194, %shift_left3A_197 : vector<512x128xi32>
    %shift_right_logical3A_199 = arith.constant 19 : i32
    %shift_right_logical3A_200 = vector.broadcast %shift_right_logical3A_199 : i32 to vector<512x128xi32>
    %shift_right_logical3A_201 = arith.shrui %add3A_194, %shift_right_logical3A_200 : vector<512x128xi32>
    %or3A_202 = arith.ori %shift_left3A_198, %shift_right_logical3A_201 : vector<512x128xi32>
    %xor3A_203 = arith.xori %or3A_202, %add3A_195 : vector<512x128xi32>
    %add3A_204 = arith.addi %add3A_195, %xor3A_203 : vector<512x128xi32>
    %shift_left3A_205 = arith.constant 15 : i32
    %shift_left3A_206 = vector.broadcast %shift_left3A_205 : i32 to vector<512x128xi32>
    %shift_left3A_207 = arith.shli %xor3A_203, %shift_left3A_206 : vector<512x128xi32>
    %shift_right_logical3A_208 = arith.constant 17 : i32
    %shift_right_logical3A_209 = vector.broadcast %shift_right_logical3A_208 : i32 to vector<512x128xi32>
    %shift_right_logical3A_210 = arith.shrui %xor3A_203, %shift_right_logical3A_209 : vector<512x128xi32>
    %or3A_211 = arith.ori %shift_left3A_207, %shift_right_logical3A_210 : vector<512x128xi32>
    %xor3A_212 = arith.xori %or3A_211, %add3A_204 : vector<512x128xi32>
    %add3A_213 = arith.addi %add3A_204, %xor3A_212 : vector<512x128xi32>
    %shift_left3A_214 = arith.constant 26 : i32
    %shift_left3A_215 = vector.broadcast %shift_left3A_214 : i32 to vector<512x128xi32>
    %shift_left3A_216 = arith.shli %xor3A_212, %shift_left3A_215 : vector<512x128xi32>
    %shift_right_logical3A_217 = arith.constant 6 : i32
    %shift_right_logical3A_218 = vector.broadcast %shift_right_logical3A_217 : i32 to vector<512x128xi32>
    %shift_right_logical3A_219 = arith.shrui %xor3A_212, %shift_right_logical3A_218 : vector<512x128xi32>
    %or3A_220 = arith.ori %shift_left3A_216, %shift_right_logical3A_219 : vector<512x128xi32>
    %xor3A_221 = arith.xori %or3A_220, %add3A_213 : vector<512x128xi32>
    %add3A_222 = arith.addi %add3A_213, %xor3A_221 : vector<512x128xi32>
    %shift_left3A_223 = arith.constant 6 : i32
    %shift_left3A_224 = vector.broadcast %shift_left3A_223 : i32 to vector<512x128xi32>
    %shift_left3A_225 = arith.shli %xor3A_221, %shift_left3A_224 : vector<512x128xi32>
    %shift_right_logical3A_226 = arith.constant 26 : i32
    %shift_right_logical3A_227 = vector.broadcast %shift_right_logical3A_226 : i32 to vector<512x128xi32>
    %shift_right_logical3A_228 = arith.shrui %xor3A_221, %shift_right_logical3A_227 : vector<512x128xi32>
    %or3A_229 = arith.ori %shift_left3A_225, %shift_right_logical3A_228 : vector<512x128xi32>
    %xor3A_230 = arith.xori %or3A_229, %add3A_222 : vector<512x128xi32>
    %add3A_231 = arith.constant 466689800 : i32
    %add3A_232 = vector.broadcast %add3A_231 : i32 to vector<512x128xi32>
    %add3A_233 = arith.addi %add3A_222, %add3A_232 : vector<512x128xi32>
    %add3A_234 = arith.constant 0 : i32
    %add3A_235 = vector.broadcast %add3A_234 : i32 to vector<512x128xi32>
    %add3A_236 = arith.addi %xor3A_230, %add3A_235 : vector<512x128xi32>
    %add3A_237 = arith.constant 5 : i32
    %add3A_238 = vector.broadcast %add3A_237 : i32 to vector<512x128xi32>
    %add3A_239 = arith.addi %add3A_236, %add3A_238 : vector<512x128xi32>
    %xor3A_240 = arith.xori %add3A_233, %add3A_239 : vector<512x128xi32>
    %shift_right_logical3A_241 = arith.constant 9 : i32
    %shift_right_logical3A_242 = vector.broadcast %shift_right_logical3A_241 : i32 to vector<512x128xi32>
    %shift_right_logical3A_243 = arith.shrui %xor3A_240, %shift_right_logical3A_242 : vector<512x128xi32>
    %or3A_244 = arith.constant 1065353216 : i32
    %or3A_245 = vector.broadcast %or3A_244 : i32 to vector<512x128xi32>
    %or3A_246 = arith.ori %shift_right_logical3A_243, %or3A_245 : vector<512x128xi32>
    %bitcast3A = tpu.bitcast %or3A_246 : vector<512x128xi32> -> vector<512x128xf32>
    %sub3A = arith.constant 1.000000e+00 : f32
    %sub3A_247 = vector.broadcast %sub3A : f32 to vector<512x128xf32>
    %sub3A_248 = arith.subf %bitcast3A, %sub3A_247 : vector<512x128xf32>
    %mul3A_249 = arith.constant 1.000000e+00 : f32
    %mul3A_250 = vector.broadcast %mul3A_249 : f32 to vector<512x128xf32>
    %mul3A_251 = arith.mulf %sub3A_248, %mul3A_250 : vector<512x128xf32>
    %add3A_252 = arith.constant 1.17549435E-38 : f32
    %add3A_253 = vector.broadcast %add3A_252 : f32 to vector<512x128xf32>
    %add3A_254 = arith.addf %mul3A_251, %add3A_253 : vector<512x128xf32>
    %get3A = arith.constant 0 : index
    %get3A_255 = arith.constant 0 : index
    %get3A_256 = arith.constant 0 : index
    %get3A_257 = vector.load %arg1[%get3A, %get3A_255, %get3A_256] : memref<2x512x64xf32, #tpu.memory_space<vmem>>, vector<1x512x64xf32>
    %get3A_258 = vector.shape_cast %get3A_257 : vector<1x512x64xf32> to vector<512x64xf32>
    %slice3A = vector.extract_strided_slice %add3A_254 {offsets = [0, 0], sizes = [512, 64], strides = [1, 1]} : vector<512x128xf32> to vector<512x64xf32>
    %log3A = math.log %slice3A : vector<512x64xf32>
    %neg3A = arith.constant 0.000000e+00 : f32
    %neg3A_259 = vector.broadcast %neg3A : f32 to vector<512x64xf32>
    %neg3A_260 = arith.subf %neg3A_259, %log3A : vector<512x64xf32>
    %log3A_261 = math.log %neg3A_260 : vector<512x64xf32>
    %sub3A_262 = arith.subf %get3A_258, %log3A_261 : vector<512x64xf32>
    %reduce_max3A = arith.constant dense<0xFF800000> : vector<512xf32>
    %reduce_max3A_263 = vector.multi_reduction <maximumf>, %sub3A_262, %reduce_max3A [1] : vector<512x64xf32> to vector<512xf32>
    %broadcast_in_dim3A = vector.shape_cast %reduce_max3A_263 : vector<512xf32> to vector<512x1xf32>
    %eq3A = vector.broadcast %broadcast_in_dim3A : vector<512x1xf32> to vector<512x64xf32>
    %eq3A_264 = arith.cmpf oeq, %sub3A_262, %eq3A : vector<512x64xf32>
    %convert_element_type3A = arith.extui %eq3A_264 : vector<512x64xi1> to vector<512x64xi32>
    %swap3A = arith.constant 0 : index
    %swap3A_265 = arith.constant 0 : index
    %swap3A_266 = arith.constant 0 : index
    %swap3A_267 = vector.load %arg3[%swap3A, %swap3A_265, %swap3A_266] : memref<2x512x64xi32, #tpu.memory_space<vmem>>, vector<1x512x64xi32>
    %swap3A_268 = vector.shape_cast %swap3A_267 : vector<1x512x64xi32> to vector<512x64xi32>
    %swap3A_269 = vector.shape_cast %convert_element_type3A : vector<512x64xi32> to vector<1x512x64xi32>
    tpu.vector_store %arg3[%swap3A, %swap3A_265, %swap3A_266], %swap3A_269 {strides = array<i32>} : memref<2x512x64xi32, #tpu.memory_space<vmem>>, vector<1x512x64xi32>,
    %exp3A = math.exp %get3A_258 : vector<512x64xf32>
    %reduce_sum3A = arith.constant dense<0.000000e+00> : vector<512xf32>
    %reduce_sum3A_270 = vector.multi_reduction <add>, %exp3A, %reduce_sum3A [1] : vector<512x64xf32> to vector<512xf32>
    %broadcast_in_dim3A_271 = vector.shape_cast %reduce_sum3A_270 : vector<512xf32> to vector<512x1xf32>
    %div3A = arith.constant 1.000000e+00 : f32
    %div3A_272 = vector.broadcast %div3A : f32 to vector<512x1xf32>
    %div3A_273 = arith.divf %div3A_272, %broadcast_in_dim3A_271 : vector<512x1xf32>
    %mul3A_274 = vector.broadcast %div3A_273 : vector<512x1xf32> to vector<512x64xf32>
    %mul3A_275 = arith.mulf %exp3A, %mul3A_274 : vector<512x64xf32>
    %swap3A_276 = arith.constant 0 : index
    %swap3A_277 = arith.constant 0 : index
    %swap3A_278 = arith.constant 0 : index
    %swap3A_279 = vector.load %arg2[%swap3A_276, %swap3A_277, %swap3A_278] : memref<2x512x64xf32, #tpu.memory_space<vmem>>, vector<1x512x64xf32>
    %swap3A_280 = vector.shape_cast %swap3A_279 : vector<1x512x64xf32> to vector<512x64xf32>
    %swap3A_281 = vector.shape_cast %mul3A_275 : vector<512x64xf32> to vector<1x512x64xf32>
    tpu.vector_store %arg2[%swap3A_276, %swap3A_277, %swap3A_278], %swap3A_281 {strides = array<i32>} : memref<2x512x64xf32, #tpu.memory_space<vmem>>, vector<1x512x64xf32>,
    %get3A_282 = arith.constant 1 : index
    %get3A_283 = arith.constant 0 : index
    %get3A_284 = arith.constant 0 : index
    %get3A_285 = vector.load %arg1[%get3A_282, %get3A_283, %get3A_284] : memref<2x512x64xf32, #tpu.memory_space<vmem>>, vector<1x512x64xf32>
    %get3A_286 = vector.shape_cast %get3A_285 : vector<1x512x64xf32> to vector<512x64xf32>
    %slice3A_287 = vector.extract_strided_slice %add3A_254 {offsets = [0, 64], sizes = [512, 64], strides = [1, 1]} : vector<512x128xf32> to vector<512x64xf32>
    %log3A_288 = math.log %slice3A_287 : vector<512x64xf32>
    %neg3A_289 = arith.constant 0.000000e+00 : f32
    %neg3A_290 = vector.broadcast %neg3A_289 : f32 to vector<512x64xf32>
    %neg3A_291 = arith.subf %neg3A_290, %log3A_288 : vector<512x64xf32>
    %log3A_292 = math.log %neg3A_291 : vector<512x64xf32>
    %sub3A_293 = arith.subf %get3A_286, %log3A_292 : vector<512x64xf32>
    %reduce_max3A_294 = arith.constant dense<0xFF800000> : vector<512xf32>
    %reduce_max3A_295 = vector.multi_reduction <maximumf>, %sub3A_293, %reduce_max3A_294 [1] : vector<512x64xf32> to vector<512xf32>
    %broadcast_in_dim3A_296 = vector.shape_cast %reduce_max3A_295 : vector<512xf32> to vector<512x1xf32>
    %eq3A_297 = vector.broadcast %broadcast_in_dim3A_296 : vector<512x1xf32> to vector<512x64xf32>
    %eq3A_298 = arith.cmpf oeq, %sub3A_293, %eq3A_297 : vector<512x64xf32>
    %convert_element_type3A_299 = arith.extui %eq3A_298 : vector<512x64xi1> to vector<512x64xi32>
    %swap3A_300 = arith.constant 1 : index
    %swap3A_301 = arith.constant 0 : index
    %swap3A_302 = arith.constant 0 : index
    %swap3A_303 = vector.load %arg3[%swap3A_300, %swap3A_301, %swap3A_302] : memref<2x512x64xi32, #tpu.memory_space<vmem>>, vector<1x512x64xi32>
    %swap3A_304 = vector.shape_cast %swap3A_303 : vector<1x512x64xi32> to vector<512x64xi32>
    %swap3A_305 = vector.shape_cast %convert_element_type3A_299 : vector<512x64xi32> to vector<1x512x64xi32>
    tpu.vector_store %arg3[%swap3A_300, %swap3A_301, %swap3A_302], %swap3A_305 {strides = array<i32>} : memref<2x512x64xi32, #tpu.memory_space<vmem>>, vector<1x512x64xi32>,
    %exp3A_306 = math.exp %get3A_286 : vector<512x64xf32>
    %reduce_sum3A_307 = arith.constant dense<0.000000e+00> : vector<512xf32>
    %reduce_sum3A_308 = vector.multi_reduction <add>, %exp3A_306, %reduce_sum3A_307 [1] : vector<512x64xf32> to vector<512xf32>
    %broadcast_in_dim3A_309 = vector.shape_cast %reduce_sum3A_308 : vector<512xf32> to vector<512x1xf32>
    %div3A_310 = arith.constant 1.000000e+00 : f32
    %div3A_311 = vector.broadcast %div3A_310 : f32 to vector<512x1xf32>
    %div3A_312 = arith.divf %div3A_311, %broadcast_in_dim3A_309 : vector<512x1xf32>
    %mul3A_313 = vector.broadcast %div3A_312 : vector<512x1xf32> to vector<512x64xf32>
    %mul3A_314 = arith.mulf %exp3A_306, %mul3A_313 : vector<512x64xf32>
    %swap3A_315 = arith.constant 1 : index
    %swap3A_316 = arith.constant 0 : index
    %swap3A_317 = arith.constant 0 : index
    %swap3A_318 = vector.load %arg2[%swap3A_315, %swap3A_316, %swap3A_317] : memref<2x512x64xf32, #tpu.memory_space<vmem>>, vector<1x512x64xf32>
    %swap3A_319 = vector.shape_cast %swap3A_318 : vector<1x512x64xf32> to vector<512x64xf32>
    %swap3A_320 = vector.shape_cast %mul3A_314 : vector<512x64xf32> to vector<1x512x64xf32>
    tpu.vector_store %arg2[%swap3A_315, %swap3A_316, %swap3A_317], %swap3A_320 {strides = array<i32>} : memref<2x512x64xf32, #tpu.memory_space<vmem>>, vector<1x512x64xf32>,
    return
  }
  func.func @transform_0(%arg0: i32) -> (i32, i32, i32) {
    %c0_i32 = arith.constant 0 : i32
    %c0_i32_0 = arith.constant 0 : i32
    %c0_i32_1 = arith.constant 0 : i32
    return %c0_i32, %arg0, %c0_i32_0 : i32, i32, i32
  }
  func.func @transform_1(%arg0: i32) -> (i32, i32, i32) {
    %c0_i32 = arith.constant 0 : i32
    %c0_i32_0 = arith.constant 0 : i32
    %c0_i32_1 = arith.constant 0 : i32
    return %c0_i32, %arg0, %c0_i32_0 : i32, i32, i32
  }
  func.func @transform_2(%arg0: i32) -> (i32, i32, i32) {
    %c0_i32 = arith.constant 0 : i32
    %c0_i32_0 = arith.constant 0 : i32
    %c0_i32_1 = arith.constant 0 : i32
    return %c0_i32, %arg0, %c0_i32_0 : i32, i32, i32
  }
}

</mosaic_0001>

<sc_bundles>
// kernel: sparse-core-data-format-call.1.cloned.1.call-start
scs
called_computation.1_lowered:
.L_overlay_start_0:
0x0: {  	s2 =	sld [smem:$0x3FD9]  }
0x1: {  	s3 =	sld [smem:$0x3FFE];
	_ =	sdelay $0x1  }
0x2: {  	s1 =	srdreg.scid  }
0x3: {  	s0 =	sand.u32 $0x1, s1  }
0x4: {  	s16 =	sshll.u32 s0, $0xA;
	s2 =	sadd.s32 s3, s2  }
0x5: {  	s2 =	sadd.s32 s2, s16  }
0x6: {  	[smem:$0x3FC7] =	sst s2  }
0x7: {  	_ = 	snop  }
0x8: {  	s2 =	sld [smem:$0x3FD0];
	_ =	sdelay $0x2  }
0x9: {  	s17 =	simm.s32 $0xB;
	s4 =	simm.s32 $0x10  }
0xa: {  	[smem:s4], [sflag:s17] =	dma.local [hbm:s2], $0x1  }
0xb: {  	_ =	swait.eq [sflag:s17], $0x1  }
0xc: {  	[sflag:s17] =	ssyncset.done $0x0  }
0xd: {  	[sflag:s17] =	ssyncadd.s32 $0xFFFFFFFF  }
0xe: {  	s18 =	sld [smem:$0x10];
	(tm) =	ssettm $0x1  }
0xf: {  	s19 =	sld [smem:$0x3FFB];
	_ =	sdelay $0x3  }
0x10: {  	_ =	strace s19  }
0x11: {  	s2 =	sld [smem:$0x3FFC];
	_ =	sdelay $0x3  }
0x12: {  	_ =	strace s2  }
0x13: {  	s2 =	sld [smem:$0x3FFD];
	_ =	sdelay $0x3  }
0x14: {  	_ =	strace s2  }
0x15: {  	_ =	strace $0x8FFFFFFF  }
0x16: {  	s20 =	sld [smem:$0x3FDB];
	_ =	sdelay $0x1  }
0x17: {  	s21 =	simm.s32 $_scs_section_size  }
0x18: {  	s5 =	simm.s32 $_size__tile_overlayer_lowered;
	s6 =	simm.s32 $_tile_overlayer_lowered  }
0x19: {  	s7 =	simm.s32 $0x1BFF;
	s22 =	sshll.u32 s6, $0x1;
	s4 =	sadd.s32 s21, s20  }
0x1a: {  	s23 =	simm.s32 $0x0;
	s5 =	sshll.u32 s5, $0x1;
	s6 =	sadd.s32 s22, s4  }
0x1b: {  	[timem:s23], [sflag:s7] =	dma.local [hbm:s6], s5  }
0x1c: {  	_ =	swait.ge [sflag:s7], s5  }
0x1d: {  	s5 =	ssub.s32 $0x0, s5;
	[sflag:s7] =	ssyncset.done $0x0  }
0x1e: {  	[sflag:s7] =	ssyncadd.s32 s5;
	_ =	sdelay $0x1  }
0x1f: {  	s24 =	simm.s32 $0x1B8B  }
0x20: {  	_ =	swait.ge [sflag:s24], $0x1  }
0x21: {  	[sflag:s24] =	ssyncset.done $0x0  }
0x22: {  	[sflag:s24] =	ssyncadd.s32 $0xFFFFFFFF  }
0x23: {  	s5 =	sld [smem:$0x0]  }
0x24: {  	s6 =	sand.u32 $0xFFFFFFFE, s1  }
0x25: {  	p0 =	sne.s32 s1, s6  }
0x26: {  	s6 =	sshll.u32 @p0 s6, $0xE  }
0x27: {  	s6 =	sadd.s32 @p0 $0x11B8D, s6;
	s7 =	sshll.u32 @p0 s5, $0x11  }
0x28: {  	s6 =	sor.u32 @p0 s7, s6  }
0x29: {  	[sflag:s6] =	ssyncadd.remote.s32 @p0 $0x1;
	_ =	sdelay $0x1  }
0x2a: {  	s6 =	simm.s32 @p0 $0x1B8D  }
0x2b: {  	_ =	swait.eq @p0 [sflag:s6], $0x1  }
0x2c: {  	[sflag:s6] =	ssyncadd.s32 @p0 $0xFFFFFFFF  }
0x2d: {  	s7 =	sshll.u32 @!p0 s1, $0xE  }
0x2e: {  	s7 =	sor.u32 @!p0 $0x4000, s7;
	s6 =	simm.s32 @!p0 $0x1B8D  }
0x2f: {  	s5 =	sshll.u32 @!p0 s5, $0x11;
	s7 =	sadd.s32 @!p0 $0x11B8D, s7;
	_ =	swait.eq @!p0 [sflag:s6], $0x1  }
0x30: {  	s5 =	sor.u32 @!p0 s5, s7;
	[sflag:s6] =	ssyncadd.s32 @!p0 $0xFFFFFFFF  }
0x31: {  	s26 =	simm.s32 $0x1B8E;
	s25 =	sld [smem:$0x3FFE];
	[sflag:s5] =	ssyncadd.remote.s32 @!p0 $0x1  }
0x32: {  	s27 =	simm.s32 $execute0_lowered;
	[smem:$0x3FD2] =	sst s26  }
0x33: {  	s6 =	sshll.u32 s27, $0x1;
	_ =	strace $0x80000049;
	[dreg:$0x1] =	wrdreg $0xFFFFFFFF  }
0x34: {  	s28 =	simm.s32 $_size_execute0_lowered;
	s4 =	sadd.s32 s4, s6;
	[dreg:$0x0] =	wrdreg $0x0  }
0x35: {  	s6 =	sshll.u32 s28, $0x1;
	[dreg:$0x2] =	wrdreg s4  }
0x36: {  	[dreg:$0x3] =	wrdreg s6  }
0x37: {  	[dreg:$0x4] =	wrdreg $0xC0  }
0x38: {  	_ =	task [dreg:s23], $0x5FFFF  }
0x39: {  	[dreg:$0x1] =	wrdreg $0xFFFFFFFF  }
0x3a: {  	[dreg:$0x0] =	wrdreg $0x60  }
0x3b: {  	[dreg:$0x2] =	wrdreg s25  }
0x3c: {  	[dreg:$0x3] =	wrdreg s18  }
0x3d: {  	[dreg:$0x4] =	wrdreg $0xA  }
0x3e: {  	_ =	task.clear_ibuf [dreg:s23], $0x5FFFF;
	_ =	strace $0x90000049  }
0x3f: {  	s29 =	simm.s32 $0xA;
	_ =	strace $0x8000004B  }
0x40: {  	_ =	swait.ge [sflag:s29], $0x1  }
0x41: {  	[sflag:s29] =	ssyncadd.s32 $0xFFFFFFFF  }
0x42: {  	_ =	strace $0x9000004B  }
0x43: {  	_ =	sfence  }
0x44: {  	s30 =	sld [smem:$0x0];
	_ =	sdelay $0x2  }
0x45: {  	s31 =	sshll.u32 s1, $0xD;
	s1 =	sshrl.u32 s1, $0x2  }
0x46: {  	s4 =	sand.u32 $0x4000, s31;
	s1 =	sadd.s32 s1, s30  }
0x47: {  	s0 =	sor.u32 s4, s0;
	s1 =	sshll.u32 s1, $0x11  }
0x48: {  	s0 =	sor.u32 s1, s0  }
0x49: {  	s0 =	sadd.s32 $0x8F2B, s0  }
0x4a: {  	[sflag:s0] =	ssyncadd.remote.s32 $0x1  }
0x4b: {  	_ =	sfence.sel $0xFFFF  }
0x4c: {  	[dreg:$0x0] =	wrdreg $0xFFFFFFFF;
	(pc) =	sbr.abs _section_cstart, $3  }
0x4d: {  	[dreg:$0x1] =	wrdreg $0xFFFFFFFF  }
0x4e: {  	_ =	task.clear_ibuf [dreg:s23], $0x2FFFF;
	_ =	strace $0x9FFFFFFF  }
0x4f: {  	(tm) =	ssettm $0x7FFFFFFF  }
tec
execute0_lowered:
.L_overlay_start_1:
0x0: {  	(tag) =	ssettag $0x1  }
0x1: {  	s0 =	srdreg.scid  }
0x2: {  	s1 =	sshll.u32 s0, $0x4  }
0x3: {  	s4 =	rddreg [dreg:$0x0];
	s0 =	stileid.u32;
	s1 =	sand.u32 $0x10, s1  }
0x4: {  	s2 =	rddreg [dreg:$0x1];
	s7 =	simm.s32 $0x1;
	s1 =	sor.u32 s0, s1  }
0x5: {  	s8 =	simm.s32 $0x2;
	s11 =	simm.s32 $0x0;
	s3 =	sshll.u32 s1, $0x7  }
0x6: {  	s10 =	simm.s32 $0x0;
	s4 =	sadd.s32 $0x800A00, s4;
	s6 =	ssub.s32 $0x40000, s3  }
.Ltmp0:
0x7: {  	s1 =	rddreg [dreg:$0x2];
	s5 =	sand.u32 $0xF80, s6;
	(pc) =	sbr.rel .LBB1_1-.Ltmp0, $4  }
0x8: {  	_ =	strace $0x8000004A;
	s9 =	smov.u32 s3;
	p0 =	sne.s32 s5, $0x0  }
0x9: {  	s6 =	sshrl.u32 s6, $0xC;
	s5 =	simm.s32 $0x1;
	s7 =	simm.s32 @!p0 $0x0  }
0xa: {  	[sflag:s5] =	ssyncpa.u1 $0x0;
	p0 =	por $0x0, $0x0;
	s6 =	sadd.s32 s7, s6  }
0xb: {  	[sflag:s8] =	ssyncpa.u1 $0x0;
	s8 =	simm.s32 $0x200000;
	s7 =	sadd.s32 $0x1, s6  }
.LBB1_4:
0xc: {  	s14 =	sshll.u32 s11, $0x3  }
0xd: {  	s15 =	sand.u32 $0x78, s11;
	s14 =	sand.u32 $0x3FC00, s14  }
0xe: {  	[tilespmem:s13+$0x810 ss:$0x81] =	vst.msk $0xffff, v2;
	s29 =	sand.u32 $0x1F8000, s11;
	s30 =	sand.u32 $0x7, s11;
	s14 =	sor.u32 s15, s14  }
0xf: {  	[tilespmem:s13+$0x1020 ss:$0x81] =	vst.msk $0xffff, v0;
	s11 =	sshll.u32 s30, $0x12;
	s15 =	sadd.s32 s2, s29;
	s14 =	sshrl.u32 s14, $0x3  }
0x10: {  	[tilespmem:s13+$0x0 ss:$0x81] =	vst.msk $0xffff, v1;
	s11 =	sor.u32 $0x400, s11;
	s31 =	sadd.s32 s14, s15  }
0x11: {  	[hbm4b:s31+s11] =	stream.strided.scatter [tilespmem:s12], [sflag:$0x2], $0x2000, s8, s11, $0x20;
	[tilespmem:$0x8080] =	vst v63  }
.LBB1_5:
0x12: {  	s13 =	sadd.s32 $0x1000, s9  }
0x13: {  	p2 =	sgt.s32 s13, $0x3FFFF  }
0x14: {  	s13 =	smov.u32 @p2 s3;
	p2 =	sne.s32 s10, s7  }
.Ltmp1:
0x15: {  	p1 =	slt.u32 s10, $0x2;
	(pc) =	sbr.rel @!p2 .LBB1_6-.Ltmp1, $4  }
0x16: {  	s12 =	simm.s32 @!p1 $0x2  }
0x17: {  	s14 =	sadd.s32 $0x1, s10;
	_ =	swait.ge @!p1 [sflag:s12], $0x2000  }
0x18: {  	s11 =	smov.u32 s9;
	p0 =	por !p0, !p0;
	[sflag:s12] =	ssyncset.done @!p1 $0x0  }
0x19: {  	s10 =	smov.u32 s14;
	s9 =	smov.u32 s13;
	[sflag:s12] =	ssyncadd.s32 @!p1 $0xFFFFE000  }
.LBB1_1:
0x1a: {  	p1 =	sge.u32 s10, s6  }
0x1b: {  	s31 =	sadd.s32 $0xFFFFFFFF, s10;
	s12 =	sxor.u32 @!p1 $0xFFFFFFFF, s10;
	s13 =	sshll.u32 @!p1 s9, $0x4  }
0x1c: {  	s14 =	simm.s32 @!p1 $0x40;
	s12 =	sshll.u32 @!p1 s12, $0xD;
	s13 =	sand.u32 @!p1 $0x3FFFF0, s13  }
0x1d: {  	s15 =	simm.s32 @!p1 $0x80;
	s12 =	sand.u32 @!p1 $0x2000, s12;
	s13 =	sadd.s32 @!p1 s4, s13  }
0x1e: {  	[tilespmem:s12], [sflag:$0x1] =	stream.strided.gather @!p1 [hbm4b:s13+s14], $0x2000, s15, s14, $0x38;
	[tilespmem:$0x8080] =	vst v63  }
0x1f: {  	p1 =	sge.u32 s31, s6  }
.Ltmp2:
0x20: {  	_ = 	snop;
	(pc) =	sbr.rel @p1 .LBB1_5-.Ltmp2, $1  }
0x21: {  	_ =	sdelay $0x3  }
0x22: {  	s12 =	simm.s32 $0x1  }
0x23: {  	_ =	swait.ge [sflag:s5], $0x2000;
	s12 =	simm.s32 @!p0 $0x0  }
0x24: {  	[sflag:s5] =	ssyncset.done $0x0;
	s13 =	sshll.u32 s12, $0xD  }
0x25: {  	[sflag:s5] =	ssyncadd.s32 $0xFFFFE000;
	s16 =	sor.u32 $0x20, s13  }
0x26: {  	s12 =	smul.u32 $0x8100, s12;
	v3 =	vld [tilespmem:s16+$0x10]  }
0x27: {  	s30 =	sand.u32 $0x1, s10;
	v2 =	vld [tilespmem:s16+$0xFFFFFFF0]  }
0x28: {  	s13 =	smul.u32 $0x8100, s30;
	s12 =	sshrl.u32 s12, $0x2;
	v0 =	vld [tilespmem:s16+$0x0]  }
0x29: {  	v1 =	vld [tilespmem:s16+$0xFFFFFFE0];
	s14 =	sor.u32 $0x4000, s12  }
0x2a: {  	s31 =	sshrl.u32 s13, $0x2;
	s13 =	sadd.s32 $0x0, s14  }
0x2b: {  	s15 =	simm.s32 $0x4;
	s16 =	sadd.s32 $0x40, s16;
	s12 =	sor.u32 $0x4000, s31;
	[tilespmem:s13+$0x1830 ss:$0x81] =	vst.msk $0xffff, v3  }
.LBB1_3:
0x2c: {  	v3 =	vld [tilespmem:s16+$0x10];
	p1 =	sne.s32 s15, $0x1FC;
	[tilespmem:s13+$0x810 ss:$0x81] =	vst.msk $0xffff, v2;
	s17 =	smov.u32 s15;
	s15 =	sadd.s32 $0x4, s15  }
.Ltmp3:
0x2d: {  	v2 =	vld [tilespmem:s16+$0xFFFFFFF0];
	[tilespmem:s13+$0x1020 ss:$0x81] =	vst.msk $0xffff, v0;
	(pc) =	sbr.rel @p1 .LBB1_3-.Ltmp3, $4  }
0x2e: {  	v0 =	vld [tilespmem:s16+$0x0];
	[tilespmem:s13+$0x0 ss:$0x81] =	vst.msk $0xffff, v1  }
0x2f: {  	s13 =	sshra.s32 s17, $0x2;
	v1 =	vld [tilespmem:s16+$0xFFFFFFE0]  }
0x30: {  	s13 =	sadd.s32 s13, s14  }
0x31: {  	s16 =	sadd.s32 $0x40, s16;
	[tilespmem:s13+$0x1830 ss:$0x81] =	vst.msk $0xffff, v3  }
.Ltmp4:
0x32: {  	_ = 	snop;
	(pc) =	sbr.rel .LBB1_4-.Ltmp4, $1  }
0x33: {  	_ =	sdelay $0x3  }
.LBB1_6:
0x34: {  	_ =	sfence.sel $0x180000  }
0x35: {  	s2 =	simm.s32 $0x1;
	[bflag:$0x0] =	sbarrier.arrive $0xFFFF  }
0x36: {  	s31 =	simm.s32 $0x2;
	[sflag:s2] =	ssyncpa.u1 $0x1  }
0x37: {  	[sflag:s31] =	ssyncpa.u1 $0x1  }
0x38: {  	p0 =	sne.s32 s0, $0x0;
	_ =	strace $0x9000004A  }
0x39: {  	s0 =	sadd.s32 @!p0 $0x100000, s1;
	[bflag:$0x2] =	sbarrier.arrive $0xFFFF  }
0x3a: {  	[sflag:s0] =	ssyncadd.tile.s32 @!p0 $0x1;
	_ =	shalt  }
.Lfunc_end1:
_tile_overlayer_lowered:
.L_overlay_start_2:
0x3b: {  	(tag) =	ssettag $0x2  }
0x3c: {  	s0 =	rddreg [dreg:$0x0];
	s2 =	stileid.u32  }
0x3d: {  	s1 =	rddreg [dreg:$0x1];
	p0 =	sne.s32 s2, $0x0  }
0x3e: {  	s3 =	rddreg [dreg:$0x2];
	[bflag:$0x3] =	sbarrier.arrive $0xFFFF;
	s2 =	simm.s32 @!p0 $0x1C01  }
0x3f: {  	[timem:s3], [sflag:s2] =	dma.local @!p0 [hbm:s0], s1  }
0x40: {  	s0 =	simm.s32 @!p0 $0x1  }
0x41: {  	_ =	swait.ge @!p0 [sflag:s0], s1  }
0x42: {  	s1 =	ssub.s32 @!p0 $0x0, s1;
	[sflag:s0] =	ssyncset.done @!p0 $0x0  }
0x43: {  	[sflag:s0] =	ssyncadd.s32 @!p0 s1  }
0x44: {  	[bflag:$0x3] =	sbarrier.arrive $0xFFFF  }
0x45: {  	_ =	shalt  }

// kernel: sparse-core-data-format-call.cloned.1.call-start
scs
called_computation_lowered:
.L_overlay_start_0:
0x0: {  	s2 =	sld [smem:$0x3FD9]  }
0x1: {  	s3 =	sld [smem:$0x3FFE];
	_ =	sdelay $0x1  }
0x2: {  	s1 =	srdreg.scid  }
0x3: {  	s0 =	sand.u32 $0x1, s1  }
0x4: {  	s15 =	sshll.u32 s0, $0xA;
	s2 =	sadd.s32 s3, s2  }
0x5: {  	s2 =	sadd.s32 s2, s15  }
0x6: {  	[smem:$0x3FC7] =	sst s2  }
0x7: {  	_ = 	snop  }
0x8: {  	s2 =	sld [smem:$0x3FD0];
	_ =	sdelay $0x2  }
0x9: {  	s16 =	simm.s32 $0xB;
	s4 =	simm.s32 $0x10  }
0xa: {  	[smem:s4], [sflag:s16] =	dma.local [hbm:s2], $0x1  }
0xb: {  	_ =	swait.eq [sflag:s16], $0x1  }
0xc: {  	[sflag:s16] =	ssyncset.done $0x0  }
0xd: {  	[sflag:s16] =	ssyncadd.s32 $0xFFFFFFFF  }
0xe: {  	s17 =	sld [smem:$0x11];
	(tm) =	ssettm $0x1  }
0xf: {  	s18 =	sld [smem:$0x3FFB];
	_ =	sdelay $0x3  }
0x10: {  	_ =	strace s18  }
0x11: {  	s3 =	sld [smem:$0x3FFC];
	_ =	sdelay $0x3  }
0x12: {  	_ =	strace s3  }
0x13: {  	s3 =	sld [smem:$0x3FFD];
	_ =	sdelay $0x3  }
0x14: {  	_ =	strace s3  }
0x15: {  	_ =	strace $0x8FFFFFFF  }
0x16: {  	s19 =	sld [smem:$0x3FDB];
	_ =	sdelay $0x1  }
0x17: {  	s20 =	simm.s32 $_scs_section_size  }
0x18: {  	s5 =	simm.s32 $_size__tile_overlayer_lowered;
	s6 =	simm.s32 $_tile_overlayer_lowered  }
0x19: {  	s23 =	simm.s32 $0x1BFF;
	s22 =	sshll.u32 s6, $0x1;
	s3 =	sadd.s32 s20, s19  }
0x1a: {  	s7 =	simm.s32 $0x0;
	s21 =	sshll.u32 s5, $0x1;
	s5 =	sadd.s32 s22, s3  }
0x1b: {  	[timem:s7], [sflag:s23] =	dma.local [hbm:s5], s21  }
0x1c: {  	_ =	swait.ge [sflag:s23], s21  }
0x1d: {  	s4 =	ssub.s32 $0x0, s21;
	[sflag:s23] =	ssyncset.done $0x0  }
0x1e: {  	[sflag:s23] =	ssyncadd.s32 s4;
	_ =	sdelay $0x1  }
0x1f: {  	s24 =	simm.s32 $0x1B8B  }
0x20: {  	_ =	swait.ge [sflag:s24], $0x1  }
0x21: {  	[sflag:s24] =	ssyncset.done $0x0  }
0x22: {  	s26 =	simm.s32 $0x1B8E;
	s25 =	sld [smem:$0x3FFE];
	[sflag:s24] =	ssyncadd.s32 $0xFFFFFFFF  }
0x23: {  	s27 =	simm.s32 $execute0_lowered;
	[smem:$0x3FD2] =	sst s26  }
0x24: {  	s5 =	sshll.u32 s27, $0x1;
	_ =	strace $0x80000046;
	[dreg:$0x1] =	wrdreg $0xFFFFFFFF  }
0x25: {  	s28 =	simm.s32 $_size_execute0_lowered;
	s3 =	sadd.s32 s3, s5;
	[dreg:$0x0] =	wrdreg $0x0  }
0x26: {  	s5 =	sshll.u32 s28, $0x1;
	[dreg:$0x2] =	wrdreg s3  }
0x27: {  	[dreg:$0x3] =	wrdreg s5  }
0x28: {  	[dreg:$0x4] =	wrdreg $0xC0  }
0x29: {  	_ =	task [dreg:s7], $0x5FFFF  }
0x2a: {  	[dreg:$0x1] =	wrdreg $0xFFFFFFFF  }
0x2b: {  	[dreg:$0x0] =	wrdreg $0x60  }
0x2c: {  	[dreg:$0x2] =	wrdreg s25  }
0x2d: {  	[dreg:$0x3] =	wrdreg s17  }
0x2e: {  	[dreg:$0x4] =	wrdreg $0x9  }
0x2f: {  	_ =	task.clear_ibuf [dreg:s7], $0x5FFFF;
	_ =	strace $0x90000046  }
0x30: {  	s29 =	simm.s32 $0x9;
	_ =	strace $0x80000048  }
0x31: {  	_ =	swait.ge [sflag:s29], $0x1  }
0x32: {  	[sflag:s29] =	ssyncadd.s32 $0xFFFFFFFF  }
0x33: {  	_ =	strace $0x90000048  }
0x34: {  	_ =	sfence  }
0x35: {  	s30 =	sld [smem:$0x0];
	_ =	sdelay $0x2  }
0x36: {  	s31 =	sshll.u32 s1, $0xD;
	s1 =	sshrl.u32 s1, $0x2  }
0x37: {  	s3 =	sand.u32 $0x4000, s31;
	s1 =	sadd.s32 s1, s30  }
0x38: {  	s0 =	sor.u32 s3, s0;
	s1 =	sshll.u32 s1, $0x11  }
0x39: {  	s0 =	sor.u32 s1, s0  }
0x3a: {  	s0 =	sadd.s32 $0x8F2B, s0  }
0x3b: {  	[sflag:s0] =	ssyncadd.remote.s32 $0x1  }
0x3c: {  	_ =	sfence.sel $0xFFFF  }
0x3d: {  	[dreg:$0x0] =	wrdreg $0xFFFFFFFF;
	(pc) =	sbr.abs _section_cstart, $3  }
0x3e: {  	[dreg:$0x1] =	wrdreg $0xFFFFFFFF  }
0x3f: {  	_ =	task.clear_ibuf [dreg:s7], $0x2FFFF;
	_ =	strace $0x9FFFFFFF  }
0x40: {  	(tm) =	ssettm $0x7FFFFFFF  }
0x41: {  	_ =	shalt  }
tec
execute0_lowered:
.L_overlay_start_1:
0x0: {  	(tag) =	ssettag $0x1  }
0x1: {  	s0 =	srdreg.scid  }
0x2: {  	s1 =	sshll.u32 s0, $0x4  }
0x3: {  	s4 =	rddreg [dreg:$0x0];
	s0 =	stileid.u32;
	s1 =	sand.u32 $0x10, s1  }
0x4: {  	s2 =	rddreg [dreg:$0x1];
	s7 =	simm.s32 $0x1;
	s1 =	sor.u32 s0, s1  }
0x5: {  	s8 =	simm.s32 $0x2;
	s11 =	simm.s32 $0x0;
	s3 =	sshll.u32 s1, $0x7  }
0x6: {  	s10 =	simm.s32 $0x0;
	s4 =	sadd.s32 $0x400A00, s4;
	s6 =	ssub.s32 $0x40000, s3  }
.Ltmp0:
0x7: {  	s1 =	rddreg [dreg:$0x2];
	s5 =	sand.u32 $0xF80, s6;
	(pc) =	sbr.rel .LBB1_1-.Ltmp0, $4  }
0x8: {  	_ =	strace $0x80000047;
	s9 =	smov.u32 s3;
	p0 =	sne.s32 s5, $0x0  }
0x9: {  	s6 =	sshrl.u32 s6, $0xC;
	s5 =	simm.s32 $0x1;
	s7 =	simm.s32 @!p0 $0x0  }
0xa: {  	[sflag:s5] =	ssyncpa.u1 $0x0;
	p0 =	por $0x0, $0x0;
	s6 =	sadd.s32 s7, s6  }
0xb: {  	[sflag:s8] =	ssyncpa.u1 $0x0;
	s8 =	simm.s32 $0x200000;
	s7 =	sadd.s32 $0x1, s6  }
.LBB1_4:
0xc: {  	s14 =	sshll.u32 s11, $0x3  }
0xd: {  	s15 =	sand.u32 $0x78, s11;
	s14 =	sand.u32 $0x3FC00, s14  }
0xe: {  	[tilespmem:s13+$0x810 ss:$0x81] =	vst.msk $0xffff, v2;
	s29 =	sand.u32 $0x1F8000, s11;
	s30 =	sand.u32 $0x7, s11;
	s14 =	sor.u32 s15, s14  }
0xf: {  	[tilespmem:s13+$0x1020 ss:$0x81] =	vst.msk $0xffff, v0;
	s11 =	sshll.u32 s30, $0x12;
	s15 =	sadd.s32 s2, s29;
	s14 =	sshrl.u32 s14, $0x3  }
0x10: {  	[tilespmem:s13+$0x0 ss:$0x81] =	vst.msk $0xffff, v1;
	s11 =	sor.u32 $0x400, s11;
	s31 =	sadd.s32 s14, s15  }
0x11: {  	[hbm4b:s31+s11] =	stream.strided.scatter [tilespmem:s12], [sflag:$0x2], $0x2000, s8, s11, $0x20;
	[tilespmem:$0x8080] =	vst v63  }
.LBB1_5:
0x12: {  	s13 =	sadd.s32 $0x1000, s9  }
0x13: {  	p2 =	sgt.s32 s13, $0x3FFFF  }
0x14: {  	s13 =	smov.u32 @p2 s3;
	p2 =	sne.s32 s10, s7  }
.Ltmp1:
0x15: {  	p1 =	slt.u32 s10, $0x2;
	(pc) =	sbr.rel @!p2 .LBB1_6-.Ltmp1, $4  }
0x16: {  	s12 =	simm.s32 @!p1 $0x2  }
0x17: {  	s14 =	sadd.s32 $0x1, s10;
	_ =	swait.ge @!p1 [sflag:s12], $0x2000  }
0x18: {  	s11 =	smov.u32 s9;
	p0 =	por !p0, !p0;
	[sflag:s12] =	ssyncset.done @!p1 $0x0  }
0x19: {  	s10 =	smov.u32 s14;
	s9 =	smov.u32 s13;
	[sflag:s12] =	ssyncadd.s32 @!p1 $0xFFFFE000  }
.LBB1_1:
0x1a: {  	p1 =	sge.u32 s10, s6  }
0x1b: {  	s31 =	sadd.s32 $0xFFFFFFFF, s10;
	s12 =	sxor.u32 @!p1 $0xFFFFFFFF, s10;
	s13 =	sshll.u32 @!p1 s9, $0x4  }
0x1c: {  	s14 =	simm.s32 @!p1 $0x40;
	s12 =	sshll.u32 @!p1 s12, $0xD;
	s13 =	sand.u32 @!p1 $0x3FFFF0, s13  }
0x1d: {  	s15 =	simm.s32 @!p1 $0x80;
	s12 =	sand.u32 @!p1 $0x2000, s12;
	s13 =	sadd.s32 @!p1 s4, s13  }
0x1e: {  	[tilespmem:s12], [sflag:$0x1] =	stream.strided.gather @!p1 [hbm4b:s13+s14], $0x2000, s15, s14, $0x38;
	[tilespmem:$0x8080] =	vst v63  }
0x1f: {  	p1 =	sge.u32 s31, s6  }
.Ltmp2:
0x20: {  	_ = 	snop;
	(pc) =	sbr.rel @p1 .LBB1_5-.Ltmp2, $1  }
0x21: {  	_ =	sdelay $0x3  }
0x22: {  	s12 =	simm.s32 $0x1  }
0x23: {  	_ =	swait.ge [sflag:s5], $0x2000;
	s12 =	simm.s32 @!p0 $0x0  }
0x24: {  	[sflag:s5] =	ssyncset.done $0x0;
	s13 =	sshll.u32 s12, $0xD  }
0x25: {  	[sflag:s5] =	ssyncadd.s32 $0xFFFFE000;
	s16 =	sor.u32 $0x20, s13  }
0x26: {  	s12 =	smul.u32 $0x8100, s12;
	v3 =	vld [tilespmem:s16+$0x10]  }
0x27: {  	s30 =	sand.u32 $0x1, s10;
	v2 =	vld [tilespmem:s16+$0xFFFFFFF0]  }
0x28: {  	s13 =	smul.u32 $0x8100, s30;
	s12 =	sshrl.u32 s12, $0x2;
	v0 =	vld [tilespmem:s16+$0x0]  }
0x29: {  	v1 =	vld [tilespmem:s16+$0xFFFFFFE0];
	s14 =	sor.u32 $0x4000, s12  }
0x2a: {  	s31 =	sshrl.u32 s13, $0x2;
	s13 =	sadd.s32 $0x0, s14  }
0x2b: {  	s15 =	simm.s32 $0x4;
	s16 =	sadd.s32 $0x40, s16;
	s12 =	sor.u32 $0x4000, s31;
	[tilespmem:s13+$0x1830 ss:$0x81] =	vst.msk $0xffff, v3  }
.LBB1_3:
0x2c: {  	v3 =	vld [tilespmem:s16+$0x10];
	p1 =	sne.s32 s15, $0x1FC;
	[tilespmem:s13+$0x810 ss:$0x81] =	vst.msk $0xffff, v2;
	s17 =	smov.u32 s15;
	s15 =	sadd.s32 $0x4, s15  }
.Ltmp3:
0x2d: {  	v2 =	vld [tilespmem:s16+$0xFFFFFFF0];
	[tilespmem:s13+$0x1020 ss:$0x81] =	vst.msk $0xffff, v0;
	(pc) =	sbr.rel @p1 .LBB1_3-.Ltmp3, $4  }
0x2e: {  	v0 =	vld [tilespmem:s16+$0x0];
	[tilespmem:s13+$0x0 ss:$0x81] =	vst.msk $0xffff, v1  }
0x2f: {  	s13 =	sshra.s32 s17, $0x2;
	v1 =	vld [tilespmem:s16+$0xFFFFFFE0]  }
0x30: {  	s13 =	sadd.s32 s13, s14  }
0x31: {  	s16 =	sadd.s32 $0x40, s16;
	[tilespmem:s13+$0x1830 ss:$0x81] =	vst.msk $0xffff, v3  }
.Ltmp4:
0x32: {  	_ = 	snop;
	(pc) =	sbr.rel .LBB1_4-.Ltmp4, $1  }
0x33: {  	_ =	sdelay $0x3  }
.LBB1_6:
0x34: {  	_ =	sfence.sel $0x180000  }
0x35: {  	s2 =	simm.s32 $0x1;
	[bflag:$0x0] =	sbarrier.arrive $0xFFFF  }
0x36: {  	s31 =	simm.s32 $0x2;
	[sflag:s2] =	ssyncpa.u1 $0x1  }
0x37: {  	[sflag:s31] =	ssyncpa.u1 $0x1  }
0x38: {  	p0 =	sne.s32 s0, $0x0;
	_ =	strace $0x90000047  }
0x39: {  	s0 =	sadd.s32 @!p0 $0x100000, s1;
	[bflag:$0x2] =	sbarrier.arrive $0xFFFF  }
0x3a: {  	[sflag:s0] =	ssyncadd.tile.s32 @!p0 $0x1;
	_ =	shalt  }
.Lfunc_end1:
_tile_overlayer_lowered:
.L_overlay_start_2:
0x3b: {  	(tag) =	ssettag $0x2  }
0x3c: {  	s0 =	rddreg [dreg:$0x0];
	s2 =	stileid.u32  }
0x3d: {  	s1 =	rddreg [dreg:$0x1];
	p0 =	sne.s32 s2, $0x0  }
0x3e: {  	s3 =	rddreg [dreg:$0x2];
	[bflag:$0x3] =	sbarrier.arrive $0xFFFF;
	s2 =	simm.s32 @!p0 $0x1C01  }
0x3f: {  	[timem:s3], [sflag:s2] =	dma.local @!p0 [hbm:s0], s1  }
0x40: {  	s0 =	simm.s32 @!p0 $0x1  }
0x41: {  	_ =	swait.ge @!p0 [sflag:s0], s1  }
0x42: {  	s1 =	ssub.s32 @!p0 $0x0, s1;
	[sflag:s0] =	ssyncset.done @!p0 $0x0  }
0x43: {  	[sflag:s0] =	ssyncadd.s32 @!p0 s1  }
0x44: {  	[bflag:$0x3] =	sbarrier.arrive $0xFFFF  }
0x45: {  	_ =	shalt  }

</sc_bundles>
